<compile_context>
chip_gen: v7x
topology: tpu7x:2x2x1
jax: 0.10.2.dev20260603
libtpu: 0.0.44.dev20260713+nightly
codegen_flags: <defaults>
</compile_context>

<pallas_src>
import functools

import jax
import jax.numpy as jnp
from jax import lax
from jax.experimental import pallas as pl
from jax.experimental.pallas import tpu as pltpu
from jax.experimental.pallas import tpu_sc as plsc

_NC = 2
_NS = 16
_L = 16


def _sc_fused_out(x2, lens, r2, posf, B, S, D, M):
  NW = _NC * _NS
  rows_per_w = B // NW
  xw = S * D
  lw = M * D
  ow = xw + lw
  n_chunks = lw // _L

  mesh = plsc.VectorSubcoreMesh(core_axis_name="c", subcore_axis_name="s")

  @functools.partial(
      pl.kernel,
      mesh=mesh,
      out_type=jax.ShapeDtypeStruct((B, ow), jnp.float32),
      scratch_types=[
          pltpu.VMEM((2 * lw,), jnp.float32),
          pltpu.VMEM((lw,), jnp.float32),
          pltpu.VMEM((rows_per_w + _L,), jnp.int32),
          pltpu.VMEM((ow,), jnp.float32),
          pltpu.VMEM((ow,), jnp.float32),
          pltpu.SemaphoreType.DMA,
          pltpu.SemaphoreType.DMA,
          pltpu.SemaphoreType.DMA,
          pltpu.SemaphoreType.DMA,
      ],
  )
  def k(x_hbm, len_hbm, r2_hbm, pos_hbm, out_hbm,
        r2_v, pos_v, len_v, buf0, buf1, sx0, sx1, so0, so1):
    wid = lax.axis_index("s") * _NC + lax.axis_index("c")
    base = wid * rows_per_w
    pltpu.sync_copy(r2_hbm, r2_v)
    pltpu.sync_copy(pos_hbm, pos_v)
    pltpu.sync_copy(len_hbm.at[pl.ds(base, rows_per_w)],
                    len_v.at[pl.ds(0, rows_per_w)])

    def compute_lc2(r0):
      c0 = (M - len_v[pl.ds(r0, _L)][0]) * D
      c1 = (M - len_v[pl.ds(r0 + 1, _L)][0]) * D

      @plsc.parallel_loop(0, lw, _L, unroll=8)
      def _(o):
        p = pos_v[pl.ds(o, _L)]
        buf0[pl.ds(xw + o, _L)] = r2_v[pl.ds(c0 + o, _L)] + p
        buf1[pl.ds(xw + o, _L)] = r2_v[pl.ds(c1 + o, _L)] + p

    def pair_body(g, _):
      r0 = 2 * g
      b0 = base + r0

      @pl.when(g > 0)
      def _():
        pltpu.make_async_copy(buf0, out_hbm.at[b0 - 2], so0).wait()

      dx0 = pltpu.async_copy(x_hbm.at[b0], buf0.at[pl.ds(0, xw)], sx0)

      @pl.when(g > 0)
      def _():
        pltpu.make_async_copy(buf1, out_hbm.at[b0 - 1], so1).wait()

      dx1 = pltpu.async_copy(x_hbm.at[b0 + 1], buf1.at[pl.ds(0, xw)], sx1)

      compute_lc2(r0)
      dx0.wait()
      pltpu.async_copy(buf0, out_hbm.at[b0], so0)
      dx1.wait()
      pltpu.async_copy(buf1, out_hbm.at[b0 + 1], so1)
      return 0

    lax.fori_loop(0, rows_per_w // 2, pair_body, 0)
    pltpu.make_async_copy(buf0, out_hbm.at[base + rows_per_w - 2], so0).wait()
    pltpu.make_async_copy(buf1, out_hbm.at[base + rows_per_w - 1], so1).wait()

  return k(x2, lens, r2, posf)


def _tc_mask(lens2, pad250, B, S, M):
  W = S + M
  BB = 256
  grid = (B // BB,)

  def body(len_ref, pad_ref, out_ref):
    L = len_ref[...]
    col = lax.broadcasted_iota(jnp.int32, (BB, W), 1)
    lc = jnp.where(col - S >= L, -jnp.inf, 0.0).astype(jnp.float32)
    out_ref[...] = jnp.where(col < S, pad_ref[...], lc)

  return pl.pallas_call(
      body,
      grid=grid,
      in_specs=[
          pl.BlockSpec((BB, 1), lambda i: (i, 0)),
          pl.BlockSpec((BB, W), lambda i: (i, 0)),
      ],
      out_specs=pl.BlockSpec((BB, W), lambda i: (i, 0)),
      out_shape=jax.ShapeDtypeStruct((B, W), jnp.float32),
  )(lens2, pad250)


def kernel(x, padding_mask, target_length, rev_table, pos_table):
  B, S, D = x.shape
  M = rev_table.shape[0]
  lens = target_length.astype(jnp.int32)
  rev = rev_table[::-1]
  r2 = jnp.concatenate([rev, rev], axis=0).reshape(2 * M * D)
  posf = pos_table.reshape(M * D)
  x2 = x.reshape(B, S * D)

  out2 = _sc_fused_out(x2, lens, r2, posf, B, S, D, M)
  pad250 = jnp.pad(padding_mask.astype(jnp.float32), ((0, 0), (0, M)))
  mask_out = _tc_mask(lens.reshape(B, 1), pad250, B, S, M)
  return out2.reshape(B, S + M, D), mask_out.astype(x.dtype)

# --- scband reference (transcript-rebuilt; emitter-appended) ---
"""Pipeline reference for scband-length-control-module-21852793602111 (READ-ONLY COPY).

The authoritative reference and input builder live on the scoring server;
editing this copy changes nothing except your own understanding.
"""

import jax, jax.numpy as jnp
import numpy as np

B, S, D = 4096, 50, 64
MAX_LEN = 200

def setup_inputs(seed: int = 0) -> dict:
    key = jax.random.key(seed)
    k1, k2, k3, k4 = jax.random.split(key, 4)
    x = jax.random.normal(k1, (B, S, D), dtype=jnp.float32)
    padding_mask = jnp.zeros((B, S), dtype=jnp.float32)
    # target_length must be in [1, MAX_LEN]; force max so output shape is static
    target_length = jax.random.randint(k2, (B,), 1, MAX_LEN + 1)
    target_length = target_length.at[0].set(MAX_LEN)
    # learned parameters: reversed positional embedding table and learned position encoder table
    rev_table = jax.random.normal(k3, (MAX_LEN, D), dtype=jnp.float32) * 0.02
    pos_table = jax.random.normal(k4, (MAX_LEN, D), dtype=jnp.float32) * 0.02
    return {"x": x, "padding_mask": padding_mask, "target_length": target_length,
            "rev_table": rev_table, "pos_table": pos_table}

def reference(x, padding_mask, target_length, rev_table, pos_table):
    # eval mode: no dropout of the length-control branch
    max_seq_len = rev_table.shape[0]
    bsz = target_length.shape[0]
    range_tensor = jnp.arange(1, max_seq_len + 1, dtype=target_length.dtype)
    # reverse_pos_idx = (target_length - [1..max_seq_len]) % max_seq_len  -> [B, max_seq_len]
    reverse_pos_idx = (target_length[:, None] - range_tensor[None, :]) % max_seq_len
    # embedding gather
    lc_embed = jnp.take(rev_table, reverse_pos_idx, axis=0)  # [B, max_seq_len, D]
    tmax = max_seq_len
    lc_embed = lc_embed[:, :tmax, :]
    # LearnedPositionEncoder: add learned positional table
    lc_embed = lc_embed + pos_table[:tmax][None, :, :]
    # to_padding_mask for the length-control segment
    idx = jnp.arange(tmax)[None, :]
    bool_mask = idx >= target_length[:, None]
    lc_embed_mask = jnp.where(bool_mask, -jnp.inf, 0.0).astype(x.dtype)
    padding_mask_out = jnp.concatenate([padding_mask, lc_embed_mask], axis=1)
    out = jnp.concatenate([x, lc_embed], axis=1)
    return out, padding_mask_out

if False:  # reference __main__ guard neutralized (emitter)
    o = reference(**setup_inputs())
    print(o[0].shape, o[1].shape)

if __name__ == "__main__":
    import jax
    _d = setup_inputs()
    print(jax.jit(kernel)(*tuple(_d.values())))

</pallas_src>

<mosaic_0001>
#map = affine_map<(d0, d1) -> (0, 0)>
#map1 = affine_map<(d0, d1) -> (0)>
module attributes {stable_mosaic.version = 14 : i64} {
  func.func @k(%arg0: i32, %arg1: i32, %arg2: memref<4096x3200xf32, #tpu.memory_space<hbm>>, %arg3: memref<4096xi32, #tpu.memory_space<hbm>>, %arg4: memref<25600xf32, #tpu.memory_space<hbm>>, %arg5: memref<12800xf32, #tpu.memory_space<hbm>>, %arg6: memref<4096x16000xf32, #tpu.memory_space<hbm>>, %arg7: memref<25600xf32, #tpu.memory_space<vmem>>, %arg8: memref<12800xf32, #tpu.memory_space<vmem>>, %arg9: memref<144xi32, #tpu.memory_space<vmem>>, %arg10: memref<16000xf32, #tpu.memory_space<vmem>>, %arg11: memref<16000xf32, #tpu.memory_space<vmem>>, %arg12: memref<!tpu.dma_semaphore, #tpu.memory_space<semaphore_mem>>, %arg13: memref<!tpu.dma_semaphore, #tpu.memory_space<semaphore_mem>>, %arg14: memref<!tpu.dma_semaphore, #tpu.memory_space<semaphore_mem>>, %arg15: memref<!tpu.dma_semaphore, #tpu.memory_space<semaphore_mem>>) attributes {dimension_semantics = [#tpu.dimension_semantics<core_parallel>, #tpu.dimension_semantics<subcore_parallel>], iteration_bounds = array<i64: 2, 16>, scalar_prefetch = 0 : i64, scratch_operands = 9 : i64, tpu.core_type = #tpu.core_type<sc_vector_subcore>, window_params = [{transform_indices = #map}, {transform_indices = #map1}, {transform_indices = #map1}, {transform_indices = #map1}, {transform_indices = #map}]} {
    %mul3A = arith.constant 2 : i32
    %mul3A_0 = arith.muli %arg1, %mul3A : i32
    %add3A = arith.addi %mul3A_0, %arg0 : i32
    %mul3A_1 = arith.constant 128 : i32
    %mul3A_2 = arith.muli %add3A, %mul3A_1 : i32
    "tpu.region"() ({
      %run_scoped3A = tpu.sem_alloc : memref<!tpu.dma_semaphore, #tpu.memory_space<semaphore_mem>>
      tpu.enqueue_dma source(%arg4 : memref<25600xf32, #tpu.memory_space<hbm>>) target(%arg7 : memref<25600xf32, #tpu.memory_space<vmem>>) target_semaphore(%run_scoped3A : memref<!tpu.dma_semaphore, #tpu.memory_space<semaphore_mem>>)
      tpu.wait_dma2 semaphore(%run_scoped3A : memref<!tpu.dma_semaphore, #tpu.memory_space<semaphore_mem>>) src(%arg4 : memref<25600xf32, #tpu.memory_space<hbm>>) dst(%arg7 : memref<25600xf32, #tpu.memory_space<vmem>>)
      tpu.yield
    }) : () -> ()
    "tpu.region"() ({
      %run_scoped3A = tpu.sem_alloc : memref<!tpu.dma_semaphore, #tpu.memory_space<semaphore_mem>>
      tpu.enqueue_dma source(%arg5 : memref<12800xf32, #tpu.memory_space<hbm>>) target(%arg8 : memref<12800xf32, #tpu.memory_space<vmem>>) target_semaphore(%run_scoped3A : memref<!tpu.dma_semaphore, #tpu.memory_space<semaphore_mem>>)
      tpu.wait_dma2 semaphore(%run_scoped3A : memref<!tpu.dma_semaphore, #tpu.memory_space<semaphore_mem>>) src(%arg5 : memref<12800xf32, #tpu.memory_space<hbm>>) dst(%arg8 : memref<12800xf32, #tpu.memory_space<vmem>>)
      tpu.yield
    }) : () -> ()
    "tpu.region"() ({
      %run_scoped3A = tpu.sem_alloc : memref<!tpu.dma_semaphore, #tpu.memory_space<semaphore_mem>>
      %dma_start3A = arith.constant 0 : i32
      %dma_start3A_27 = tpu.memref_slice %arg9[%dma_start3A] : memref<144xi32, #tpu.memory_space<vmem>> -> memref<128xi32, #tpu.memory_space<vmem>>
      %dma_start3A_28 = tpu.memref_slice %arg3[%mul3A_2] : memref<4096xi32, #tpu.memory_space<hbm>> -> memref<128xi32, #tpu.memory_space<hbm>>
      %dma_start3A_29 = arith.constant 0 : i32
      %dma_start3A_30 = tpu.memref_slice %arg9[%dma_start3A_29] : memref<144xi32, #tpu.memory_space<vmem>> -> memref<128xi32, #tpu.memory_space<vmem>>
      %dma_start3A_31 = tpu.memref_slice %arg3[%mul3A_2] : memref<4096xi32, #tpu.memory_space<hbm>> -> memref<128xi32, #tpu.memory_space<hbm>>
      tpu.enqueue_dma source(%dma_start3A_31 : memref<128xi32, #tpu.memory_space<hbm>>) target(%dma_start3A_30 : memref<128xi32, #tpu.memory_space<vmem>>) target_semaphore(%run_scoped3A : memref<!tpu.dma_semaphore, #tpu.memory_space<semaphore_mem>>)
      %dma_wait3A_32 = arith.constant 0 : i32
      %dma_wait3A_33 = tpu.memref_slice %arg9[%dma_wait3A_32] : memref<144xi32, #tpu.memory_space<vmem>> -> memref<128xi32, #tpu.memory_space<vmem>>
      %dma_wait3A_34 = tpu.memref_slice %arg3[%mul3A_2] : memref<4096xi32, #tpu.memory_space<hbm>> -> memref<128xi32, #tpu.memory_space<hbm>>
      %dma_wait3A_35 = arith.constant 0 : i32
      %dma_wait3A_36 = tpu.memref_slice %arg9[%dma_wait3A_35] : memref<144xi32, #tpu.memory_space<vmem>> -> memref<128xi32, #tpu.memory_space<vmem>>
      %dma_wait3A_37 = tpu.memref_slice %arg3[%mul3A_2] : memref<4096xi32, #tpu.memory_space<hbm>> -> memref<128xi32, #tpu.memory_space<hbm>>
      tpu.wait_dma2 semaphore(%run_scoped3A : memref<!tpu.dma_semaphore, #tpu.memory_space<semaphore_mem>>) src(%dma_wait3A_37 : memref<128xi32, #tpu.memory_space<hbm>>) dst(%dma_wait3A_36 : memref<128xi32, #tpu.memory_space<vmem>>)
      tpu.yield
    }) : () -> ()
    %scan3A = arith.constant 0 : i32
    %scan3A_3 = arith.constant 0 : i32
    %scan3A_4 = arith.constant 64 : i32
    %scan3A_5 = arith.addi %scan3A_3, %scan3A_4 : i32
    %scan3A_6 = arith.constant 1 : i32
    %scan3A_7 = scf.for %scan3A_27 = %scan3A_3 to %scan3A_5 step %scan3A_6 iter_args(%scan3A_28 = %scan3A) -> (i32)  : i32 {
      %mul3A_29 = arith.constant 2 : i32
      %mul3A_30 = arith.muli %mul3A_29, %scan3A_27 : i32
      %add3A_31 = arith.addi %mul3A_2, %mul3A_30 : i32
      %gt3A = arith.constant 0 : i32
      %gt3A_32 = arith.cmpi sgt, %scan3A_27, %gt3A : i32
      %convert_element_type3A = arith.extui %gt3A_32 : i1 to i32
      %cond3A = arith.constant 0 : i32
      %cond3A_33 = arith.cmpi ne, %convert_element_type3A, %cond3A : i32
      scf.if %cond3A_33 {
        %sub3A_114 = arith.constant 2 : i32
        %sub3A_115 = arith.subi %add3A_31, %sub3A_114 : i32
        %dma_wait3A_116 = arith.constant 0 : i32
        %dma_wait3A_117 = tpu.memref_slice %arg6[%sub3A_115, %dma_wait3A_116] : memref<4096x16000xf32, #tpu.memory_space<hbm>> -> memref<1x16000xf32, #tpu.memory_space<hbm>>
        %dma_wait3A_118 = tpu.memref_squeeze %dma_wait3A_117 : memref<1x16000xf32, #tpu.memory_space<hbm>> -> memref<16000xf32, #tpu.memory_space<hbm>>
        %dma_wait3A_119 = arith.constant 0 : i32
        %dma_wait3A_120 = tpu.memref_slice %arg6[%sub3A_115, %dma_wait3A_119] : memref<4096x16000xf32, #tpu.memory_space<hbm>> -> memref<1x16000xf32, #tpu.memory_space<hbm>>
        %dma_wait3A_121 = tpu.memref_squeeze %dma_wait3A_120 : memref<1x16000xf32, #tpu.memory_space<hbm>> -> memref<16000xf32, #tpu.memory_space<hbm>>
        tpu.wait_dma2 semaphore(%arg14 : memref<!tpu.dma_semaphore, #tpu.memory_space<semaphore_mem>>) src(%arg10 : memref<16000xf32, #tpu.memory_space<vmem>>) dst(%dma_wait3A_121 : memref<16000xf32, #tpu.memory_space<hbm>>)
      } else {
      }
      %dma_start3A = arith.constant 0 : i32
      %dma_start3A_34 = tpu.memref_slice %arg10[%dma_start3A] : memref<16000xf32, #tpu.memory_space<vmem>> -> memref<3200xf32, #tpu.memory_space<vmem>>
      %dma_start3A_35 = arith.constant 0 : i32
      %dma_start3A_36 = tpu.memref_slice %arg2[%add3A_31, %dma_start3A_35] : memref<4096x3200xf32, #tpu.memory_space<hbm>> -> memref<1x3200xf32, #tpu.memory_space<hbm>>
      %dma_start3A_37 = tpu.memref_squeeze %dma_start3A_36 : memref<1x3200xf32, #tpu.memory_space<hbm>> -> memref<3200xf32, #tpu.memory_space<hbm>>
      %dma_start3A_38 = arith.constant 0 : i32
      %dma_start3A_39 = tpu.memref_slice %arg10[%dma_start3A_38] : memref<16000xf32, #tpu.memory_space<vmem>> -> memref<3200xf32, #tpu.memory_space<vmem>>
      %dma_start3A_40 = arith.constant 0 : i32
      %dma_start3A_41 = tpu.memref_slice %arg2[%add3A_31, %dma_start3A_40] : memref<4096x3200xf32, #tpu.memory_space<hbm>> -> memref<1x3200xf32, #tpu.memory_space<hbm>>
      %dma_start3A_42 = tpu.memref_squeeze %dma_start3A_41 : memref<1x3200xf32, #tpu.memory_space<hbm>> -> memref<3200xf32, #tpu.memory_space<hbm>>
      tpu.enqueue_dma source(%dma_start3A_42 : memref<3200xf32, #tpu.memory_space<hbm>>) target(%dma_start3A_39 : memref<3200xf32, #tpu.memory_space<vmem>>) target_semaphore(%arg12 : memref<!tpu.dma_semaphore, #tpu.memory_space<semaphore_mem>>)
      %gt3A_43 = arith.constant 0 : i32
      %gt3A_44 = arith.cmpi sgt, %scan3A_27, %gt3A_43 : i32
      %convert_element_type3A_45 = arith.extui %gt3A_44 : i1 to i32
      %cond3A_46 = arith.constant 0 : i32
      %cond3A_47 = arith.cmpi ne, %convert_element_type3A_45, %cond3A_46 : i32
      scf.if %cond3A_47 {
        %sub3A_114 = arith.constant 1 : i32
        %sub3A_115 = arith.subi %add3A_31, %sub3A_114 : i32
        %dma_wait3A_116 = arith.constant 0 : i32
        %dma_wait3A_117 = tpu.memref_slice %arg6[%sub3A_115, %dma_wait3A_116] : memref<4096x16000xf32, #tpu.memory_space<hbm>> -> memref<1x16000xf32, #tpu.memory_space<hbm>>
        %dma_wait3A_118 = tpu.memref_squeeze %dma_wait3A_117 : memref<1x16000xf32, #tpu.memory_space<hbm>> -> memref<16000xf32, #tpu.memory_space<hbm>>
        %dma_wait3A_119 = arith.constant 0 : i32
        %dma_wait3A_120 = tpu.memref_slice %arg6[%sub3A_115, %dma_wait3A_119] : memref<4096x16000xf32, #tpu.memory_space<hbm>> -> memref<1x16000xf32, #tpu.memory_space<hbm>>
        %dma_wait3A_121 = tpu.memref_squeeze %dma_wait3A_120 : memref<1x16000xf32, #tpu.memory_space<hbm>> -> memref<16000xf32, #tpu.memory_space<hbm>>
        tpu.wait_dma2 semaphore(%arg15 : memref<!tpu.dma_semaphore, #tpu.memory_space<semaphore_mem>>) src(%arg11 : memref<16000xf32, #tpu.memory_space<vmem>>) dst(%dma_wait3A_121 : memref<16000xf32, #tpu.memory_space<hbm>>)
      } else {
      }
      %add3A_48 = arith.constant 1 : i32
      %add3A_49 = arith.addi %add3A_31, %add3A_48 : i32
      %dma_start3A_50 = arith.constant 0 : i32
      %dma_start3A_51 = tpu.memref_slice %arg11[%dma_start3A_50] : memref<16000xf32, #tpu.memory_space<vmem>> -> memref<3200xf32, #tpu.memory_space<vmem>>
      %dma_start3A_52 = arith.constant 0 : i32
      %dma_start3A_53 = tpu.memref_slice %arg2[%add3A_49, %dma_start3A_52] : memref<4096x3200xf32, #tpu.memory_space<hbm>> -> memref<1x3200xf32, #tpu.memory_space<hbm>>
      %dma_start3A_54 = tpu.memref_squeeze %dma_start3A_53 : memref<1x3200xf32, #tpu.memory_space<hbm>> -> memref<3200xf32, #tpu.memory_space<hbm>>
      %dma_start3A_55 = arith.constant 0 : i32
      %dma_start3A_56 = tpu.memref_slice %arg11[%dma_start3A_55] : memref<16000xf32, #tpu.memory_space<vmem>> -> memref<3200xf32, #tpu.memory_space<vmem>>
      %dma_start3A_57 = arith.constant 0 : i32
      %dma_start3A_58 = tpu.memref_slice %arg2[%add3A_49, %dma_start3A_57] : memref<4096x3200xf32, #tpu.memory_space<hbm>> -> memref<1x3200xf32, #tpu.memory_space<hbm>>
      %dma_start3A_59 = tpu.memref_squeeze %dma_start3A_58 : memref<1x3200xf32, #tpu.memory_space<hbm>> -> memref<3200xf32, #tpu.memory_space<hbm>>
      tpu.enqueue_dma source(%dma_start3A_59 : memref<3200xf32, #tpu.memory_space<hbm>>) target(%dma_start3A_56 : memref<3200xf32, #tpu.memory_space<vmem>>) target_semaphore(%arg13 : memref<!tpu.dma_semaphore, #tpu.memory_space<semaphore_mem>>)
      %get3A = arith.index_cast %mul3A_30 : i32 to index
      %get3A_60 = tpu.vector_load %arg9[%get3A] {strides = array<i32>} : memref<144xi32, #tpu.memory_space<vmem>>, vector<16xi32>,
      %get3A_61 = vector.shape_cast %get3A_60 : vector<16xi32> to vector<16xi32>
      %slice3A = vector.extract_strided_slice %get3A_61 {offsets = [0], sizes = [1], strides = [1]} : vector<16xi32> to vector<1xi32>
      %squeeze3A = vector.extract %slice3A[0] : i32 from vector<1xi32>
      %sub3A_62 = arith.constant 200 : i32
      %sub3A_63 = arith.subi %sub3A_62, %squeeze3A : i32
      %mul3A_64 = arith.constant 64 : i32
      %mul3A_65 = arith.muli %sub3A_63, %mul3A_64 : i32
      %add3A_66 = arith.constant 1 : i32
      %add3A_67 = arith.addi %mul3A_30, %add3A_66 : i32
      %get3A_68 = arith.index_cast %add3A_67 : i32 to index
      %get3A_69 = tpu.vector_load %arg9[%get3A_68] {strides = array<i32>} : memref<144xi32, #tpu.memory_space<vmem>>, vector<16xi32>,
      %get3A_70 = vector.shape_cast %get3A_69 : vector<16xi32> to vector<16xi32>
      %slice3A_71 = vector.extract_strided_slice %get3A_70 {offsets = [0], sizes = [1], strides = [1]} : vector<16xi32> to vector<1xi32>
      %squeeze3A_72 = vector.extract %slice3A_71[0] : i32 from vector<1xi32>
      %sub3A_73 = arith.constant 200 : i32
      %sub3A_74 = arith.subi %sub3A_73, %squeeze3A_72 : i32
      %mul3A_75 = arith.constant 64 : i32
      %mul3A_76 = arith.muli %sub3A_74, %mul3A_75 : i32
      %parallel_loop3A = arith.constant 0 : i32
      %parallel_loop3A_77 = arith.constant 12800 : i32
      %parallel_loop3A_78 = arith.constant 16 : i32
      scf.for %parallel_loop3A_114 = %parallel_loop3A to %parallel_loop3A_77 step %parallel_loop3A_78  : i32 {
        %parallel_loop3A_115 = arith.index_cast %parallel_loop3A_114 : i32 to index
        %parallel_loop3A_116 = tpu.vector_load %arg8[%parallel_loop3A_115] {strides = array<i32>} : memref<12800xf32, #tpu.memory_space<vmem>>, vector<16xf32>,
        %parallel_loop3A_117 = vector.shape_cast %parallel_loop3A_116 : vector<16xf32> to vector<16xf32>
        %parallel_loop3A_118 = arith.addi %mul3A_65, %parallel_loop3A_114 : i32
        %parallel_loop3A_119 = arith.index_cast %parallel_loop3A_118 : i32 to index
        %parallel_loop3A_120 = tpu.vector_load %arg7[%parallel_loop3A_119] {strides = array<i32>} : memref<25600xf32, #tpu.memory_space<vmem>>, vector<16xf32>,
        %parallel_loop3A_121 = vector.shape_cast %parallel_loop3A_120 : vector<16xf32> to vector<16xf32>
        %parallel_loop3A_122 = arith.addf %parallel_loop3A_121, %parallel_loop3A_117 : vector<16xf32>
        %parallel_loop3A_123 = arith.constant 3200 : i32
        %parallel_loop3A_124 = arith.addi %parallel_loop3A_123, %parallel_loop3A_114 : i32
        %parallel_loop3A_125 = arith.index_cast %parallel_loop3A_124 : i32 to index
        %parallel_loop3A_126 = tpu.vector_load %arg10[%parallel_loop3A_125] {strides = array<i32>} : memref<16000xf32, #tpu.memory_space<vmem>>, vector<16xf32>,
        %parallel_loop3A_127 = vector.shape_cast %parallel_loop3A_126 : vector<16xf32> to vector<16xf32>
        %parallel_loop3A_128 = vector.shape_cast %parallel_loop3A_122 : vector<16xf32> to vector<16xf32>
        tpu.vector_store %arg10[%parallel_loop3A_125], %parallel_loop3A_128 {strides = array<i32>} : memref<16000xf32, #tpu.memory_space<vmem>>, vector<16xf32>,
        %parallel_loop3A_129 = arith.addi %mul3A_76, %parallel_loop3A_114 : i32
        %parallel_loop3A_130 = arith.index_cast %parallel_loop3A_129 : i32 to index
        %parallel_loop3A_131 = tpu.vector_load %arg7[%parallel_loop3A_130] {strides = array<i32>} : memref<25600xf32, #tpu.memory_space<vmem>>, vector<16xf32>,
        %parallel_loop3A_132 = vector.shape_cast %parallel_loop3A_131 : vector<16xf32> to vector<16xf32>
        %parallel_loop3A_133 = arith.addf %parallel_loop3A_132, %parallel_loop3A_117 : vector<16xf32>
        %parallel_loop3A_134 = arith.constant 3200 : i32
        %parallel_loop3A_135 = arith.addi %parallel_loop3A_134, %parallel_loop3A_114 : i32
        %parallel_loop3A_136 = arith.index_cast %parallel_loop3A_135 : i32 to index
        %parallel_loop3A_137 = tpu.vector_load %arg11[%parallel_loop3A_136] {strides = array<i32>} : memref<16000xf32, #tpu.memory_space<vmem>>, vector<16xf32>,
        %parallel_loop3A_138 = vector.shape_cast %parallel_loop3A_137 : vector<16xf32> to vector<16xf32>
        %parallel_loop3A_139 = vector.shape_cast %parallel_loop3A_133 : vector<16xf32> to vector<16xf32>
        tpu.vector_store %arg11[%parallel_loop3A_136], %parallel_loop3A_139 {strides = array<i32>} : memref<16000xf32, #tpu.memory_space<vmem>>, vector<16xf32>,
      } {sc.loop_unroll_factor = 8 : i64, sc.parallel_access}
      %dma_wait3A_79 = arith.constant 0 : i32
      %dma_wait3A_80 = tpu.memref_slice %arg10[%dma_wait3A_79] : memref<16000xf32, #tpu.memory_space<vmem>> -> memref<3200xf32, #tpu.memory_space<vmem>>
      %dma_wait3A_81 = arith.constant 0 : i32
      %dma_wait3A_82 = tpu.memref_slice %arg2[%add3A_31, %dma_wait3A_81] : memref<4096x3200xf32, #tpu.memory_space<hbm>> -> memref<1x3200xf32, #tpu.memory_space<hbm>>
      %dma_wait3A_83 = tpu.memref_squeeze %dma_wait3A_82 : memref<1x3200xf32, #tpu.memory_space<hbm>> -> memref<3200xf32, #tpu.memory_space<hbm>>
      %dma_wait3A_84 = arith.constant 0 : i32
      %dma_wait3A_85 = tpu.memref_slice %arg10[%dma_wait3A_84] : memref<16000xf32, #tpu.memory_space<vmem>> -> memref<3200xf32, #tpu.memory_space<vmem>>
      %dma_wait3A_86 = arith.constant 0 : i32
      %dma_wait3A_87 = tpu.memref_slice %arg2[%add3A_31, %dma_wait3A_86] : memref<4096x3200xf32, #tpu.memory_space<hbm>> -> memref<1x3200xf32, #tpu.memory_space<hbm>>
      %dma_wait3A_88 = tpu.memref_squeeze %dma_wait3A_87 : memref<1x3200xf32, #tpu.memory_space<hbm>> -> memref<3200xf32, #tpu.memory_space<hbm>>
      tpu.wait_dma2 semaphore(%arg12 : memref<!tpu.dma_semaphore, #tpu.memory_space<semaphore_mem>>) src(%dma_wait3A_88 : memref<3200xf32, #tpu.memory_space<hbm>>) dst(%dma_wait3A_85 : memref<3200xf32, #tpu.memory_space<vmem>>)
      %dma_start3A_89 = arith.constant 0 : i32
      %dma_start3A_90 = tpu.memref_slice %arg6[%add3A_31, %dma_start3A_89] : memref<4096x16000xf32, #tpu.memory_space<hbm>> -> memref<1x16000xf32, #tpu.memory_space<hbm>>
      %dma_start3A_91 = tpu.memref_squeeze %dma_start3A_90 : memref<1x16000xf32, #tpu.memory_space<hbm>> -> memref<16000xf32, #tpu.memory_space<hbm>>
      %dma_start3A_92 = arith.constant 0 : i32
      %dma_start3A_93 = tpu.memref_slice %arg6[%add3A_31, %dma_start3A_92] : memref<4096x16000xf32, #tpu.memory_space<hbm>> -> memref<1x16000xf32, #tpu.memory_space<hbm>>
      %dma_start3A_94 = tpu.memref_squeeze %dma_start3A_93 : memref<1x16000xf32, #tpu.memory_space<hbm>> -> memref<16000xf32, #tpu.memory_space<hbm>>
      tpu.enqueue_dma source(%arg10 : memref<16000xf32, #tpu.memory_space<vmem>>) target(%dma_start3A_94 : memref<16000xf32, #tpu.memory_space<hbm>>) target_semaphore(%arg14 : memref<!tpu.dma_semaphore, #tpu.memory_space<semaphore_mem>>)
      %dma_wait3A_95 = arith.constant 0 : i32
      %dma_wait3A_96 = tpu.memref_slice %arg11[%dma_wait3A_95] : memref<16000xf32, #tpu.memory_space<vmem>> -> memref<3200xf32, #tpu.memory_space<vmem>>
      %dma_wait3A_97 = arith.constant 0 : i32
      %dma_wait3A_98 = tpu.memref_slice %arg2[%add3A_49, %dma_wait3A_97] : memref<4096x3200xf32, #tpu.memory_space<hbm>> -> memref<1x3200xf32, #tpu.memory_space<hbm>>
      %dma_wait3A_99 = tpu.memref_squeeze %dma_wait3A_98 : memref<1x3200xf32, #tpu.memory_space<hbm>> -> memref<3200xf32, #tpu.memory_space<hbm>>
      %dma_wait3A_100 = arith.constant 0 : i32
      %dma_wait3A_101 = tpu.memref_slice %arg11[%dma_wait3A_100] : memref<16000xf32, #tpu.memory_space<vmem>> -> memref<3200xf32, #tpu.memory_space<vmem>>
      %dma_wait3A_102 = arith.constant 0 : i32
      %dma_wait3A_103 = tpu.memref_slice %arg2[%add3A_49, %dma_wait3A_102] : memref<4096x3200xf32, #tpu.memory_space<hbm>> -> memref<1x3200xf32, #tpu.memory_space<hbm>>
      %dma_wait3A_104 = tpu.memref_squeeze %dma_wait3A_103 : memref<1x3200xf32, #tpu.memory_space<hbm>> -> memref<3200xf32, #tpu.memory_space<hbm>>
      tpu.wait_dma2 semaphore(%arg13 : memref<!tpu.dma_semaphore, #tpu.memory_space<semaphore_mem>>) src(%dma_wait3A_104 : memref<3200xf32, #tpu.memory_space<hbm>>) dst(%dma_wait3A_101 : memref<3200xf32, #tpu.memory_space<vmem>>)
      %add3A_105 = arith.constant 1 : i32
      %add3A_106 = arith.addi %add3A_31, %add3A_105 : i32
      %dma_start3A_107 = arith.constant 0 : i32
      %dma_start3A_108 = tpu.memref_slice %arg6[%add3A_106, %dma_start3A_107] : memref<4096x16000xf32, #tpu.memory_space<hbm>> -> memref<1x16000xf32, #tpu.memory_space<hbm>>
      %dma_start3A_109 = tpu.memref_squeeze %dma_start3A_108 : memref<1x16000xf32, #tpu.memory_space<hbm>> -> memref<16000xf32, #tpu.memory_space<hbm>>
      %dma_start3A_110 = arith.constant 0 : i32
      %dma_start3A_111 = tpu.memref_slice %arg6[%add3A_106, %dma_start3A_110] : memref<4096x16000xf32, #tpu.memory_space<hbm>> -> memref<1x16000xf32, #tpu.memory_space<hbm>>
      %dma_start3A_112 = tpu.memref_squeeze %dma_start3A_111 : memref<1x16000xf32, #tpu.memory_space<hbm>> -> memref<16000xf32, #tpu.memory_space<hbm>>
      tpu.enqueue_dma source(%arg11 : memref<16000xf32, #tpu.memory_space<vmem>>) target(%dma_start3A_112 : memref<16000xf32, #tpu.memory_space<hbm>>) target_semaphore(%arg15 : memref<!tpu.dma_semaphore, #tpu.memory_space<semaphore_mem>>)
      %scan3A_113 = arith.constant 0 : i32
      scf.yield %scan3A_113 : i32
    }
    %scan3A_8 = arith.constant 64 : i32
    %add3A_9 = arith.constant 128 : i32
    %add3A_10 = arith.addi %mul3A_2, %add3A_9 : i32
    %sub3A = arith.constant 2 : i32
    %sub3A_11 = arith.subi %add3A_10, %sub3A : i32
    %dma_wait3A = arith.constant 0 : i32
    %dma_wait3A_12 = tpu.memref_slice %arg6[%sub3A_11, %dma_wait3A] : memref<4096x16000xf32, #tpu.memory_space<hbm>> -> memref<1x16000xf32, #tpu.memory_space<hbm>>
    %dma_wait3A_13 = tpu.memref_squeeze %dma_wait3A_12 : memref<1x16000xf32, #tpu.memory_space<hbm>> -> memref<16000xf32, #tpu.memory_space<hbm>>
    %dma_wait3A_14 = arith.constant 0 : i32
    %dma_wait3A_15 = tpu.memref_slice %arg6[%sub3A_11, %dma_wait3A_14] : memref<4096x16000xf32, #tpu.memory_space<hbm>> -> memref<1x16000xf32, #tpu.memory_space<hbm>>
    %dma_wait3A_16 = tpu.memref_squeeze %dma_wait3A_15 : memref<1x16000xf32, #tpu.memory_space<hbm>> -> memref<16000xf32, #tpu.memory_space<hbm>>
    tpu.wait_dma2 semaphore(%arg14 : memref<!tpu.dma_semaphore, #tpu.memory_space<semaphore_mem>>) src(%arg10 : memref<16000xf32, #tpu.memory_space<vmem>>) dst(%dma_wait3A_16 : memref<16000xf32, #tpu.memory_space<hbm>>)
    %add3A_17 = arith.constant 128 : i32
    %add3A_18 = arith.addi %mul3A_2, %add3A_17 : i32
    %sub3A_19 = arith.constant 1 : i32
    %sub3A_20 = arith.subi %add3A_18, %sub3A_19 : i32
    %dma_wait3A_21 = arith.constant 0 : i32
    %dma_wait3A_22 = tpu.memref_slice %arg6[%sub3A_20, %dma_wait3A_21] : memref<4096x16000xf32, #tpu.memory_space<hbm>> -> memref<1x16000xf32, #tpu.memory_space<hbm>>
    %dma_wait3A_23 = tpu.memref_squeeze %dma_wait3A_22 : memref<1x16000xf32, #tpu.memory_space<hbm>> -> memref<16000xf32, #tpu.memory_space<hbm>>
    %dma_wait3A_24 = arith.constant 0 : i32
    %dma_wait3A_25 = tpu.memref_slice %arg6[%sub3A_20, %dma_wait3A_24] : memref<4096x16000xf32, #tpu.memory_space<hbm>> -> memref<1x16000xf32, #tpu.memory_space<hbm>>
    %dma_wait3A_26 = tpu.memref_squeeze %dma_wait3A_25 : memref<1x16000xf32, #tpu.memory_space<hbm>> -> memref<16000xf32, #tpu.memory_space<hbm>>
    tpu.wait_dma2 semaphore(%arg15 : memref<!tpu.dma_semaphore, #tpu.memory_space<semaphore_mem>>) src(%arg11 : memref<16000xf32, #tpu.memory_space<vmem>>) dst(%dma_wait3A_26 : memref<16000xf32, #tpu.memory_space<hbm>>)
    return
  }
}

module attributes {stable_mosaic.version = 14 : i64} {
  func.func @body(%arg0: i32, %arg1: memref<256x1xi32, #tpu.memory_space<vmem>>, %arg2: memref<256x250xf32, #tpu.memory_space<vmem>>, %arg3: memref<256x250xf32, #tpu.memory_space<vmem>>) attributes {dimension_semantics = [#tpu.dimension_semantics<arbitrary>], iteration_bounds = array<i64: 16>, scalar_prefetch = 0 : i64, scratch_operands = 0 : i64, tpu.core_type = #tpu.core_type<tc>, window_params = [{transform_indices = @transform_0, window_bounds = array<i64: 256, 1>}, {transform_indices = @transform_1, window_bounds = array<i64: 256, 250>}, {transform_indices = @transform_2, window_bounds = array<i64: 256, 250>}]} {
    %get3A = arith.constant 0 : index
    %get3A_0 = arith.constant 0 : index
    %get3A_1 = vector.load %arg1[%get3A, %get3A_0] : memref<256x1xi32, #tpu.memory_space<vmem>>, vector<256x1xi32>
    %iota3A = tpu.iota {dimensions = array<i32: 1>} : vector<256x250xi32>
    %sub3A = arith.constant 50 : i32
    %sub3A_2 = vector.broadcast %sub3A : i32 to vector<256x250xi32>
    %sub3A_3 = arith.subi %iota3A, %sub3A_2 : vector<256x250xi32>
    %ge3A = vector.broadcast %get3A_1 : vector<256x1xi32> to vector<256x250xi32>
    %ge3A_4 = arith.cmpi sge, %sub3A_3, %ge3A : vector<256x250xi32>
    %jit3A = arith.constant 0xFF800000 : f32
    %jit3A_5 = arith.constant 0.000000e+00 : f32
    %broadcast_in_dim3A = vector.broadcast %jit3A : f32 to vector<256x250xf32>
    %broadcast_in_dim3A_6 = vector.broadcast %jit3A_5 : f32 to vector<256x250xf32>
    %select_n3A = arith.select %ge3A_4, %broadcast_in_dim3A, %broadcast_in_dim3A_6 : vector<256x250xi1>, vector<256x250xf32>
    %lt3A = arith.constant 50 : i32
    %lt3A_7 = vector.broadcast %lt3A : i32 to vector<256x250xi32>
    %lt3A_8 = arith.cmpi slt, %iota3A, %lt3A_7 : vector<256x250xi32>
    %get3A_9 = arith.constant 0 : index
    %get3A_10 = arith.constant 0 : index
    %get3A_11 = vector.load %arg2[%get3A_9, %get3A_10] : memref<256x250xf32, #tpu.memory_space<vmem>>, vector<256x250xf32>
    %select_n3A_12 = arith.select %lt3A_8, %get3A_11, %select_n3A : vector<256x250xi1>, vector<256x250xf32>
    %swap3A = arith.constant 0 : index
    %swap3A_13 = arith.constant 0 : index
    %swap3A_14 = vector.load %arg3[%swap3A, %swap3A_13] : memref<256x250xf32, #tpu.memory_space<vmem>>, vector<256x250xf32>
    tpu.vector_store %arg3[%swap3A, %swap3A_13], %select_n3A_12 {strides = array<i32>} : memref<256x250xf32, #tpu.memory_space<vmem>>, vector<256x250xf32>,
    return
  }
  func.func @transform_0(%arg0: i32) -> (i32, i32) {
    %c0_i32 = arith.constant 0 : i32
    %c0_i32_0 = arith.constant 0 : i32
    return %arg0, %c0_i32 : i32, i32
  }
  func.func @transform_1(%arg0: i32) -> (i32, i32) {
    %c0_i32 = arith.constant 0 : i32
    %c0_i32_0 = arith.constant 0 : i32
    return %arg0, %c0_i32 : i32, i32
  }
  func.func @transform_2(%arg0: i32) -> (i32, i32) {
    %c0_i32 = arith.constant 0 : i32
    %c0_i32_0 = arith.constant 0 : i32
    return %arg0, %c0_i32 : i32, i32
  }
}

</mosaic_0001>

<sc_bundles>
// kernel: kernel.4.cloned.1.call-start
scs
__scs_entry_jumppad:
0x0: {  	(pc) =	sbr.rel $0x88, $3  }
0x1: {  	(tag) =	ssettag $0x0;
	lr =	simm.s32 $0x1  }
0x2: {  	[smem:$0x3F9C] =	sst lr;
	_ =	strace $0xD0000000  }
0x3: {  	_ = 	snop  }
0x4: {  	_ = 	snop  }
0x5: {  	_ = 	snop  }
0x6: {  	_ = 	snop  }
0x7: {  	_ = 	snop  }
__scs_overlays_trampoline_lowered:
0x8: {  	[smem:$0x3FAB] =	sst s0  }
0x9: {  	[smem:$0x3FAC] =	sst s1  }
0xa: {  	[smem:$0x3FAD] =	sst s2  }
0xb: {  	[smem:$0x3FAE] =	sst s3  }
0xc: {  	[smem:$0x3FAF] =	sst s4  }
0xd: {  	[smem:$0x3FB0] =	sst s5  }
0xe: {  	[smem:$0x3FB1] =	sst s6  }
0xf: {  	[smem:$0x3FB2] =	sst s7  }
0x10: {  	[smem:$0x3FB3] =	sst s8  }
0x11: {  	[smem:$0x3FB4] =	sst s9;
	s0 =	simm.s32 @!p0 $0x0  }
0x12: {  	s1 =	sld [smem:$0x3F9A];
	s0 =	simm.s32 @p0 $0x1  }
0x13: {  	[smem:$0x3FB5] =	sst s0;
	s0 =	simm.s32 @!p1 $0x0  }
0x14: {  	s2 =	sld [smem:$0x3F99];
	s0 =	simm.s32 @p1 $0x1  }
0x15: {  	[smem:$0x3FB6] =	sst s0;
	s0 =	simm.s32 @!p2 $0x0  }
0x16: {  	s3 =	sld [smem:$0x3FDB];
	s0 =	simm.s32 @p2 $0x1  }
0x17: {  	s4 =	simm.s32 $0x1BF5;
	[smem:$0x3FB8] =	sst s0  }
0x18: {  	s0 =	sld [smem:$0x3F9B];
	_ =	swait.ge [sflag:s4], $0x0  }
0x19: {  	s7 =	sld [smem:$0x3F9C]  }
0x1a: {  	s8 =	sadd.s32 $0xFFFFE003, lr  }
0x1b: {  	s9 =	sadd.s32 $0xFFFFFEF7, lr;
	s5 =	simm.s32 $0xFFFFFFFF;
	p2 =	slt.u32 s8, $0xFFFFF086  }
0x1c: {  	p1 =	slt.u32 s9, $0xF7A;
	s5 =	simm.s32 @!p2 $0x0  }
0x1d: {  	s5 =	simm.s32 @p1 $0x1;
	p0 =	seq.s32 s7, s2  }
0x1e: {  	s7 =	smul.u32 @!p0 $0xF7A, s2;
	p2 =	seq.s32 @!p0 s5, $0x0  }
0x1f: {  	s9 =	smul.u32 $0xF7A, s1;
	s8 =	simm.s32 @!p0 $0x1BF5;
	p2 =	por !p2, p0  }
0x20: {  	[sflag:s8] =	ssyncset.s32 @!p0 $0xFFFFF086;
	s6 =	sadd.s32 @!p0 s3, s7;
	s7 =	simm.s32 @!p0 $0x108  }
0x21: {  	s3 =	sadd.s32 s3, s9;
	s6 =	sadd.s32 @!p0 $0x88, s6;
	s7 =	simm.s32 @p2 $0x1082  }
0x22: {  	[simem:s7], [sflag:s8] =	dma.local @!p0 [hbm:s6], $0xF7A  }
0x23: {  	s9 =	sor.u32 $0xD0000000, s2;
	s6 =	simm.s32 $0x108;
	_ =	swait.ge @!p0 [sflag:s8], $0x0  }
0x24: {  	s3 =	sadd.s32 $0x88, s3;
	s6 =	simm.s32 @!p1 $0x1082;
	[sflag:s4] =	ssyncset.s32 $0xFFFFF086  }
0x25: {  	[simem:s6], [sflag:s4] =	dma.local [hbm:s3], $0xF7A  }
0x26: {  	[smem:$0x3F9C] =	sst s1;
	(tag) =	ssettag s2;
	_ =	strace s9  }
0x27: {  	s1 =	sld [smem:$0x3FAC]  }
0x28: {  	s2 =	sld [smem:$0x3FAD]  }
0x29: {  	s4 =	sld [smem:$0x3FAF]  }
0x2a: {  	p0 =	seq.s32 s5, $0x0;
	s5 =	sld [smem:$0x3FB0]  }
0x2b: {  	s6 =	sld [smem:$0x3FB1]  }
0x2c: {  	s7 =	sld [smem:$0x3FB2]  }
0x2d: {  	s3 =	simm.s32 $0x108;
	s8 =	sld [smem:$0x3FB3]  }
0x2e: {  	s3 =	simm.s32 @!p0 $0x1082;
	s9 =	sld [smem:$0x3FB4]  }
0x2f: {  	lr =	sadd.s32 s0, s3;
	s0 =	sld [smem:$0x3FAB]  }
0x30: {  	s3 =	sld [smem:$0x3FAE]  }
0x31: {  	[smem:$0x3FB7] =	sst s10  }
0x32: {  	s10 =	sld [smem:$0x3FB5];
	_ =	sdelay $0x3  }
0x33: {  	p0 =	seq.s32 s10, $0x1;
	s10 =	sld [smem:$0x3FB7];
	_ =	sdelay $0x3  }
0x34: {  	[smem:$0x3FB7] =	sst s10  }
0x35: {  	s10 =	sld [smem:$0x3FB6];
	_ =	sdelay $0x3  }
0x36: {  	p1 =	seq.s32 s10, $0x1;
	s10 =	sld [smem:$0x3FB7];
	_ =	sdelay $0x3  }
0x37: {  	[smem:$0x3FB7] =	sst s10  }
0x38: {  	s10 =	sld [smem:$0x3FB8]  }
0x39: {  	_ = 	snop;
	(pc) =	sbr.ind lr, $3  }
0x3a: {  	_ = 	snop  }
0x3b: {  	_ = 	snop  }
0x3c: {  	p2 =	seq.s32 s10, $0x1;
	s10 =	sld [smem:$0x3FB7]  }
0x3d: {  	_ =	shalt  }
0x3e: {  	_ =	shalt  }
0x3f: {  	_ =	shalt  }
0x40: {  	_ =	shalt  }
0x41: {  	_ =	shalt  }
0x42: {  	_ =	shalt  }
0x43: {  	_ =	shalt  }
0x44: {  	_ =	shalt  }
0x45: {  	_ =	shalt  }
0x46: {  	_ =	shalt  }
0x47: {  	_ =	shalt  }
0x48: {  	_ =	shalt  }
0x49: {  	_ =	shalt  }
0x4a: {  	_ =	shalt  }
0x4b: {  	_ =	shalt  }
0x4c: {  	_ =	shalt  }
0x4d: {  	_ =	shalt  }
0x4e: {  	_ =	shalt  }
0x4f: {  	_ =	shalt  }
0x50: {  	_ =	shalt  }
0x51: {  	_ =	shalt  }
0x52: {  	_ =	shalt  }
0x53: {  	_ =	shalt  }
0x54: {  	_ =	shalt  }
0x55: {  	_ =	shalt  }
0x56: {  	_ =	shalt  }
0x57: {  	_ =	shalt  }
0x58: {  	_ =	shalt  }
0x59: {  	_ =	shalt  }
0x5a: {  	_ =	shalt  }
0x5b: {  	_ =	shalt  }
0x5c: {  	_ =	shalt  }
0x5d: {  	_ =	shalt  }
0x5e: {  	_ =	shalt  }
0x5f: {  	_ =	shalt  }
0x60: {  	_ =	shalt  }
0x61: {  	_ =	shalt  }
0x62: {  	_ =	shalt  }
0x63: {  	_ =	shalt  }
0x64: {  	_ =	shalt  }
0x65: {  	_ =	shalt  }
0x66: {  	_ =	shalt  }
0x67: {  	_ =	shalt  }
0x68: {  	_ =	shalt  }
0x69: {  	_ =	shalt  }
0x6a: {  	_ =	shalt  }
0x6b: {  	_ =	shalt  }
0x6c: {  	_ =	shalt  }
0x6d: {  	_ =	shalt  }
0x6e: {  	_ =	shalt  }
0x6f: {  	_ =	shalt  }
0x70: {  	_ =	shalt  }
0x71: {  	_ =	shalt  }
0x72: {  	_ =	shalt  }
0x73: {  	_ =	shalt  }
0x74: {  	_ =	shalt  }
0x75: {  	_ =	shalt  }
0x76: {  	_ =	shalt  }
0x77: {  	_ =	shalt  }
0x78: {  	_ =	shalt  }
0x79: {  	_ =	shalt  }
0x7a: {  	_ =	shalt  }
0x7b: {  	_ =	shalt  }
0x7c: {  	_ =	shalt  }
0x7d: {  	_ =	shalt  }
0x7e: {  	_ =	shalt  }
0x7f: {  	_ =	shalt  }
0x80: {  	_ =	shalt  }
0x81: {  	_ =	shalt  }
0x82: {  	_ =	shalt  }
0x83: {  	_ =	shalt  }
0x84: {  	_ =	shalt  }
0x85: {  	_ =	shalt  }
0x86: {  	_ =	shalt  }
0x87: {  	_ =	shalt  }
.Lfunc_end0:
.L_simem_size_0:
called_computation_lowered:
.L_overlay_start_0:
0x88: {  	s2 =	sld [smem:$0x3FD9]  }
0x89: {  	s3 =	sld [smem:$0x3FFE];
	_ =	sdelay $0x1  }
0x8a: {  	s1 =	srdreg.scid  }
0x8b: {  	s0 =	sand.u32 $0x1, s1  }
0x8c: {  	s14 =	sshll.u32 s0, $0xA;
	s2 =	sadd.s32 s3, s2  }
0x8d: {  	s2 =	sadd.s32 s2, s14  }
0x8e: {  	[smem:$0x3FC3] =	sst s2  }
0x8f: {  	_ = 	snop  }
0x90: {  	s2 =	sld [smem:$0x3FD0];
	_ =	sdelay $0x2  }
0x91: {  	s4 =	simm.s32 $0xA;
	s5 =	simm.s32 $0x10;
	s15 =	sld [smem:$0x3FC7]  }
0x92: {  	[smem:s5], [sflag:s4] =	dma.local [hbm:s2], $0x1  }
0x93: {  	_ =	swait.eq [sflag:s4], $0x1  }
0x94: {  	[sflag:s4] =	ssyncset.done $0x0  }
0x95: {  	[sflag:s4] =	ssyncadd.s32 $0xFFFFFFFF  }
0x96: {  	s16 =	sld [smem:$0x10];
	(tm) =	ssettm $0x1  }
0x97: {  	s17 =	sld [smem:$0x3FFB];
	_ =	sdelay $0x3  }
0x98: {  	_ =	strace s17  }
0x99: {  	s4 =	sld [smem:$0x3FFC];
	_ =	sdelay $0x3  }
0x9a: {  	_ =	strace s4  }
0x9b: {  	s4 =	sld [smem:$0x3FFD];
	_ =	sdelay $0x3  }
0x9c: {  	_ =	strace s4  }
0x9d: {  	_ =	strace $0x8FFFFFFF  }
0x9e: {  	s18 =	sld [smem:$0x3FDB];
	_ =	sdelay $0x1  }
0x9f: {  	s19 =	simm.s32 $_scs_section_size  }
0xa0: {  	s6 =	simm.s32 $_size__tile_overlayer_lowered;
	s7 =	simm.s32 $_tile_overlayer_lowered  }
0xa1: {  	s22 =	simm.s32 $0x1BFF;
	s21 =	sshll.u32 s7, $0x1;
	s4 =	sadd.s32 s19, s18  }
0xa2: {  	s8 =	simm.s32 $0x0;
	s20 =	sshll.u32 s6, $0x1;
	s6 =	sadd.s32 s21, s4  }
0xa3: {  	[timem:s8], [sflag:s22] =	dma.local [hbm:s6], s20  }
0xa4: {  	_ =	swait.ge [sflag:s22], s20  }
0xa5: {  	s5 =	ssub.s32 $0x0, s20;
	[sflag:s22] =	ssyncset.done $0x0  }
0xa6: {  	[sflag:s22] =	ssyncadd.s32 s5;
	_ =	sdelay $0x1  }
0xa7: {  	s23 =	simm.s32 $0x1B8B  }
0xa8: {  	_ =	swait.ge [sflag:s23], $0x1  }
0xa9: {  	[sflag:s23] =	ssyncset.done $0x0  }
0xaa: {  	s25 =	simm.s32 $0x1B8E;
	s24 =	sld [smem:$0x3FFE];
	[sflag:s23] =	ssyncadd.s32 $0xFFFFFFFF  }
0xab: {  	s26 =	simm.s32 $execute0_lowered;
	[smem:$0x3FD2] =	sst s25  }
0xac: {  	s6 =	sshll.u32 s26, $0x1;
	_ =	strace $0x80000046;
	[dreg:$0x1] =	wrdreg $0xFFFFFFFF  }
0xad: {  	s28 =	simm.s32 $_size_execute0_lowered;
	s4 =	sadd.s32 s4, s6;
	[dreg:$0x0] =	wrdreg $0x0  }
0xae: {  	s6 =	sshll.u32 s28, $0x1;
	[dreg:$0x2] =	wrdreg s4  }
0xaf: {  	[dreg:$0x3] =	wrdreg s6  }
0xb0: {  	[dreg:$0x4] =	wrdreg $0xC0  }
0xb1: {  	_ =	task [dreg:s8], $0x5FFFF  }
0xb2: {  	[dreg:$0x1] =	wrdreg $0xFFFFFFFF  }
0xb3: {  	[dreg:$0x0] =	wrdreg $0x60  }
0xb4: {  	[dreg:$0x2] =	wrdreg s16  }
0xb5: {  	[dreg:$0x3] =	wrdreg s15  }
0xb6: {  	[dreg:$0x4] =	wrdreg s24  }
0xb7: {  	[dreg:$0x5] =	wrdreg $0x9  }
0xb8: {  	_ =	task.clear_ibuf [dreg:s8], $0x6FFFF;
	_ =	strace $0x90000046  }
0xb9: {  	s29 =	simm.s32 $0x9;
	_ =	strace $0x80000048  }
0xba: {  	_ =	swait.ge [sflag:s29], $0x1  }
0xbb: {  	[sflag:s29] =	ssyncadd.s32 $0xFFFFFFFF  }
0xbc: {  	_ =	strace $0x90000048  }
0xbd: {  	_ =	sfence  }
0xbe: {  	s30 =	sld [smem:$0x0];
	_ =	sdelay $0x2  }
0xbf: {  	s31 =	sshll.u32 s1, $0xD;
	s1 =	sshrl.u32 s1, $0x2  }
0xc0: {  	s3 =	sand.u32 $0x4000, s31;
	s1 =	sadd.s32 s1, s30  }
0xc1: {  	s0 =	sor.u32 s3, s0;
	s1 =	sshll.u32 s1, $0x11  }
0xc2: {  	s0 =	sor.u32 s1, s0  }
0xc3: {  	s0 =	sadd.s32 $0x8F2B, s0  }
0xc4: {  	[sflag:s0] =	ssyncadd.remote.s32 $0x1  }
0xc5: {  	_ =	sfence.sel $0xFFFF  }
0xc6: {  	[dreg:$0x0] =	wrdreg $0xFFFFFFFF;
	(pc) =	sbr.abs _section_cstart, $3  }
0xc7: {  	[dreg:$0x1] =	wrdreg $0xFFFFFFFF  }
0xc8: {  	_ =	task.clear_ibuf [dreg:s8], $0x2FFFF;
	_ =	strace $0x9FFFFFFF  }
0xc9: {  	(tm) =	ssettm $0x7FFFFFFF  }
tec
execute0_lowered:
.L_overlay_start_1:
0x0: {  	(tag) =	ssettag $0x1  }
0x1: {  	s1 =	rddreg [dreg:$0x0]  }
0x2: {  	s0 =	rddreg [dreg:$0x1]  }
0x3: {  	s2 =	rddreg [dreg:$0x2]  }
0x4: {  	s3 =	simm.s32 $0x0;
	s4 =	srdreg.scid;
	s5 =	stileid.u32  }
0x5: {  	s10 =	simm.s32 $0x5;
	s13 =	simm.s32 $0x80;
	s14 =	simm.s32 $0x400  }
0x6: {  	s15 =	simm.s32 $0x9700;
	s16 =	simm.s32 $0xD580;
	s17 =	simm.s32 $0x1  }
0x7: {  	s18 =	simm.s32 $0x2;
	s19 =	simm.s32 $0x3;
	s20 =	simm.s32 $0x4  }
0x8: {  	s21 =	simm.s32 $0x0;
	[smem:$0x7FF] =	sst s3;
	s4 =	sand.u32 $0x1, s4  }
0x9: {  	s5 =	sshll.u32 s5, $0x8;
	s6 =	sadd.s32 $0xC00, s2;
	s29 =	sadd.s32 $0x1A00, s2  }
0xa: {  	_ =	strace $0x80000047;
	s7 =	ssub.s32 $0x2, s4;
	s4 =	sshll.u32 s4, $0x7  }
0xb: {  	[dreg:$0x4] =	wrdreg s6;
	s8 =	sshrl.u32 s7, $0x1;
	s5 =	sor.u32 s4, s5  }
0xc: {  	[dreg:$0x5] =	wrdreg s29;
	s30 =	ssub.s32 s7, s8;
	s31 =	sshrl.u32 s5, $0x3  }
0xd: {  	s7 =	sadd.s32 $0x2200, s2;
	s8 =	sadd.s32 s0, s31;
	s9 =	smax.u32 s30, $0x1  }
.LBB2_1:
0xe: {  	s0 =	rddreg [dreg:$0x4]  }
0xf: {  	[tilespmem:s3], [sflag:$0x5] =	stream.linear.gather [hbm4b:s0+s3], $0x6400, $0x38;
	[tilespmem:$0x11400] =	vst v63  }
0x10: {  	_ =	swait.ge [sflag:s10], $0x6400  }
0x11: {  	[sflag:s10] =	ssyncset.done $0x0  }
0x12: {  	s2 =	simm.s32 $0x6400;
	s30 =	rddreg [dreg:$0x5];
	[sflag:s10] =	ssyncadd.s32 $0xFFFF9C00  }
0x13: {  	[tilespmem:s2], [sflag:$0x5] =	stream.linear.gather [hbm4b:s30+s3], $0x3200, $0x38;
	[tilespmem:$0x11400] =	vst v63  }
0x14: {  	_ =	swait.ge [sflag:s10], $0x3200  }
0x15: {  	[sflag:s10] =	ssyncset.done $0x0  }
0x16: {  	s31 =	simm.s32 $0x9600;
	[sflag:s10] =	ssyncadd.s32 $0xFFFFCE00  }
0x17: {  	[tilespmem:s31], [sflag:$0x5] =	stream.linear.gather [hbm4b:s8+s3], $0x80, $0x38;
	[tilespmem:$0x11400] =	vst v63  }
0x18: {  	_ =	swait.ge [sflag:s10], $0x80  }
0x19: {  	[sflag:s10] =	ssyncset.done $0x0  }
0x1a: {  	s22 =	simm.s32 $0x0;
	[sflag:s10] =	ssyncadd.s32 $0xFFFFFF80  }
.LBB2_2:
0x1b: {  	s0 =	sshll.u32 s22, $0x1  }
0x1c: {  	s2 =	sor.u32 s5, s0  }
0x1d: {  	s23 =	sshrl.u32 s2, $0x3  }
0x1e: {  	p0 =	seq.s32 s22, $0x0;
	s6 =	sshll.u32 s22, $0x8;
	s4 =	smul.u32 $0x6400, s23  }
0x1f: {  	s11 =	simm.s32 @!p0 $0x3;
	s24 =	sand.u32 $0x300, s6  }
0x20: {  	_ =	swait.ge @!p0 [sflag:s11], $0x3E80;
	s2 =	sor.u32 s24, s4  }
0x21: {  	[sflag:s11] =	ssyncset.done @!p0 $0x0;
	s2 =	sshrl.u32 s2, $0x3  }
0x22: {  	[sflag:s11] =	ssyncadd.s32 @!p0 $0xFFFFC180;
	s2 =	sadd.s32 s1, s2  }
0x23: {  	[tilespmem:s15], [sflag:$0x1] =	stream.strided.gather [hbm4b:s2+s13], $0xC80, s14, s13, $0x38;
	[tilespmem:$0x11400] =	vst v63  }
0x24: {  	s25 =	sor.u32 $0x80, s24;
	s2 =	simm.s32 @!p0 $0x4  }
0x25: {  	s4 =	sor.u32 s25, s4;
	_ =	swait.ge @!p0 [sflag:s2], $0x3E80  }
0x26: {  	s4 =	sshrl.u32 s4, $0x3;
	[sflag:s2] =	ssyncset.done @!p0 $0x0  }
0x27: {  	s11 =	sadd.s32 s1, s4;
	[sflag:s2] =	ssyncadd.s32 @!p0 $0xFFFFC180  }
0x28: {  	[tilespmem:s16], [sflag:$0x2] =	stream.strided.gather [hbm4b:s11+s13], $0xC80, s14, s13, $0x38;
	[tilespmem:$0x11400] =	vst v63  }
0x29: {  	v0 =	vld [tilespmem:s0+$0x9600];
	_ =	sdelay $0x4  }
0x2a: {  	(v2sf) =	vpush v0, $0x0;
	_ =	sdelay $0x3  }
0x2b: {  	v0 =	vld [tilespmem:s0+$0x9601];
	_ =	sdelay $0x4  }
0x2c: {  	(v2sf) =	vpush v0, $0x0;
	_ =	sdelay $0x5  }
0x2d: {  	s12 =	spop (v2sf)  }
0x2e: {  	s26 =	simm.s32 $0x0;
	s4 =	sshll.u32 s12, $0x8  }
0x2f: {  	v2 =	vld [tilespmem:s26+$0x6400];
	s2 =	ssub.s32 $0x0, s4  }
0x30: {  	v1 =	vld [tilespmem:s26+$0x6420];
	s2 =	sshra.s32 s2, $0x2  }
0x31: {  	v7 =	vld [tilespmem:s26+$0x6470];
	s0 =	sshll.u32 s12, $0x6;
	s2 =	sadd.s32 $0x3210, s2  }
0x32: {  	v3 =	vld [tilespmem:s26+$0x6460];
	s28 =	ssub.s32 $0x3200, s0;
	v4 =	vmov s2  }
0x33: {  	v6 =	vld [tilespmem:s26+$0x6430];
	s0 =	sadd.s32 $0x0, s28  }
0x34: {  	v9 =	vld [tilespmem:s26+$0x6450];
	s29 =	sand.u32 $0x40, s28;
	s0 =	sand.u32 $0xFFFFFF80, s0  }
0x35: {  	v8 =	vld [tilespmem:s26+$0x6440];
	s0 =	sor.u32 s0, s29  }
0x36: {  	s6 =	spop (v2sf);
	v12 =	vld [tilespmem:s0+$0x0]  }
0x37: {  	s11 =	sshll.u32 s6, $0x8;
	v10 =	vld.idx.msk [tilespmem:v4+s26+$0x10 ss:$0x1], $0xffff  }
0x38: {  	s0 =	ssub.s32 $0x0, s11;
	v11 =	vld.idx.msk [tilespmem:v4+s26+$0x60 ss:$0x1], $0xffff  }
0x39: {  	v0 =	vld [tilespmem:s26+$0x6410];
	s0 =	sshra.s32 s0, $0x2  }
0x3a: {  	s12 =	sshll.u32 s6, $0x6;
	s0 =	sadd.s32 $0x3210, s0;
	v14 =	vld.idx.msk [tilespmem:v4+s26+$0x0 ss:$0x1], $0xffff  }
0x3b: {  	s30 =	ssub.s32 $0x3200, s12;
	v5 =	vmov s0;
	v16 =	vld.idx.msk [tilespmem:v4+s26+$0x50 ss:$0x1], $0xffff;
	v17 =	vadd.f32 v12, v2  }
0x3c: {  	v13 =	vld.idx.msk [tilespmem:v4+s26+$0x40 ss:$0x1], $0xffff;
	s0 =	sadd.s32 $0x0, s30;
	v10 =	vadd.f32 v10, v1  }
0x3d: {  	s31 =	sand.u32 $0x40, s30;
	v12 =	vld.idx.msk [tilespmem:v4+s26+$0x30 ss:$0x1], $0xffff;
	s0 =	sand.u32 $0xFFFFFF80, s0;
	[tilespmem:s26+$0xA380] =	vst v17;
	v15 =	vadd.f32 v11, v7  }
0x3e: {  	s0 =	sor.u32 s0, s31;
	v11 =	vld.idx.msk [tilespmem:v4+s26+$0x20 ss:$0x1], $0xffff;
	[tilespmem:s26+$0xA3A0] =	vst v10  }
0x3f: {  	v18 =	vadd.f32 v14, v0;
	[tilespmem:s26+$0xA3F0] =	vst v15;
	v15 =	vld [tilespmem:s0+$0x0]  }
0x40: {  	v10 =	vld.idx.msk [tilespmem:v5+s26+$0x10 ss:$0x1], $0xffff  }
0x41: {  	s2 =	simm.s32 $0x80;
	v16 =	vadd.f32 v16, v3;
	[tilespmem:s26+$0xA390] =	vst v18;
	s0 =	simm.s32 $0x200;
	v14 =	vld.idx.msk [tilespmem:v5+s26+$0x60 ss:$0x1], $0xffff  }
.LBB2_3:
0x42: {  	s12 =	sshra.s32 s0, $0x2  }
0x43: {  	s6 =	sadd.s32 s2, s28;
	v17 =	vld.idx.msk [tilespmem:v5+s26+$0x0 ss:$0x1], $0xffff;
	v13 =	vadd.f32 v13, v9;
	s11 =	smov.u32 s2;
	s4 =	sadd.s32 $0x80, s2  }
0x44: {  	p0 =	slt.u32 s2, $0x3180;
	v11 =	vadd.f32 v11, v6;
	v18 =	vld [tilespmem:s12+$0x6400];
	s6 =	sand.u32 $0xFFFFFF80, s6;
	[tilespmem:s26+$0xA3E0] =	vst v16  }
0x45: {  	v12 =	vadd.f32 v12, v8;
	s2 =	sor.u32 s6, s29;
	[tilespmem:s26+$0xA3D0] =	vst v13;
	v13 =	vld.idx.msk [tilespmem:v5+s26+$0x50 ss:$0x1], $0xffff  }
0x46: {  	[tilespmem:s26+$0xA3B0] =	vst v11;
	v11 =	vld.idx.msk [tilespmem:v5+s26+$0x40 ss:$0x1], $0xffff  }
0x47: {  	v15 =	vadd.f32 v15, v2;
	v16 =	vld.idx.msk [tilespmem:v5+s26+$0x20 ss:$0x1], $0xffff;
	[tilespmem:s26+$0xA3C0] =	vst v12;
	v12 =	vadd.f32 v14, v7  }
0x48: {  	v7 =	vadd.f32 v10, v1;
	v10 =	vld.idx.msk [tilespmem:v5+s26+$0x30 ss:$0x1], $0xffff  }
0x49: {  	v1 =	vld [tilespmem:s12+$0x6420];
	[tilespmem:s26+$0xE270] =	vst v12;
	v2 =	vmov v18  }
0x4a: {  	v12 =	vld [tilespmem:s12+$0x6410];
	[tilespmem:s26+$0xE220] =	vst v7  }
0x4b: {  	v13 =	vadd.f32 v13, v3;
	v7 =	vld [tilespmem:s12+$0x6470];
	[tilespmem:s26+$0xE200] =	vst v15  }
0x4c: {  	v14 =	vld.idx.msk [tilespmem:v4+s12+$0x10 ss:$0x1], $0xffff  }
0x4d: {  	v15 =	vadd.f32 v16, v6;
	v6 =	vadd.f32 v11, v9;
	v3 =	vld [tilespmem:s12+$0x6460];
	[tilespmem:s26+$0xE260] =	vst v13  }
0x4e: {  	v8 =	vadd.f32 v10, v8;
	v11 =	vld [tilespmem:s2+$0x0]  }
0x4f: {  	v9 =	vadd.f32 v17, v0;
	v10 =	vld.idx.msk [tilespmem:v4+s12+$0x60 ss:$0x1], $0xffff;
	[tilespmem:s26+$0xE250] =	vst v6;
	v0 =	vmov v12  }
0x50: {  	v6 =	vld [tilespmem:s12+$0x6430];
	[tilespmem:s26+$0xE230] =	vst v15  }
0x51: {  	v12 =	vld.idx.msk [tilespmem:v4+s12+$0x0 ss:$0x1], $0xffff;
	[tilespmem:s26+$0xE210] =	vst v9  }
0x52: {  	v9 =	vld [tilespmem:s12+$0x6450];
	[tilespmem:s26+$0xE240] =	vst v8;
	s26 =	smov.u32 s12  }
0x53: {  	v11 =	vadd.f32 v11, v2;
	v8 =	vld [tilespmem:s26+$0x6440]  }
0x54: {  	v14 =	vadd.f32 v14, v1;
	v16 =	vld.idx.msk [tilespmem:v4+s26+$0x50 ss:$0x1], $0xffff  }
0x55: {  	v15 =	vadd.f32 v10, v7;
	[tilespmem:s26+$0xA380] =	vst v11;
	v13 =	vld.idx.msk [tilespmem:v4+s26+$0x40 ss:$0x1], $0xffff  }
.Ltmp0:
0x56: {  	v11 =	vld.idx.msk [tilespmem:v4+s26+$0x20 ss:$0x1], $0xffff;
	(pc) =	sbr.rel @p0 .LBB2_3-.Ltmp0, $4  }
0x57: {  	s2 =	sadd.s32 s11, s30;
	v17 =	vadd.f32 v12, v0;
	[tilespmem:s26+$0xA3A0] =	vst v14;
	v12 =	vld.idx.msk [tilespmem:v4+s26+$0x30 ss:$0x1], $0xffff  }
0x58: {  	s2 =	sand.u32 $0xFFFFFF80, s2;
	v10 =	vld.idx.msk [tilespmem:v5+s26+$0x10 ss:$0x1], $0xffff;
	[tilespmem:s26+$0xA3F0] =	vst v15  }
0x59: {  	s2 =	sor.u32 s2, s31;
	v14 =	vld.idx.msk [tilespmem:v5+s26+$0x60 ss:$0x1], $0xffff  }
0x5a: {  	s0 =	sadd.s32 $0x200, s0;
	v16 =	vadd.f32 v16, v3;
	v15 =	vld [tilespmem:s2+$0x0];
	[tilespmem:s26+$0xA390] =	vst v17;
	s2 =	smov.u32 s4  }
0x5b: {  	_ =	sdelay $0x2  }
0x5c: {  	v4 =	vadd.f32 v13, v9  }
0x5d: {  	v11 =	vadd.f32 v11, v6;
	v58 =	vld.idx.msk [tilespmem:v5+s26+$0x0 ss:$0x1], $0xffff;
	[tilespmem:s26+$0xA3E0] =	vst v16  }
0x5e: {  	v12 =	vadd.f32 v12, v8;
	[tilespmem:s26+$0xA3D0] =	vst v4;
	v55 =	vld.idx.msk [tilespmem:v5+s26+$0x50 ss:$0x1], $0xffff  }
0x5f: {  	[tilespmem:s26+$0xA3B0] =	vst v11;
	v1 =	vadd.f32 v10, v1;
	v56 =	vld.idx.msk [tilespmem:v5+s26+$0x40 ss:$0x1], $0xffff  }
0x60: {  	v57 =	vld.idx.msk [tilespmem:v5+s26+$0x20 ss:$0x1], $0xffff;
	v7 =	vadd.f32 v14, v7;
	[tilespmem:s26+$0xA3C0] =	vst v12  }
0x61: {  	v2 =	vadd.f32 v15, v2;
	v59 =	vld.idx.msk [tilespmem:v5+s26+$0x30 ss:$0x1], $0xffff;
	[tilespmem:s26+$0xE220] =	vst v1  }
0x62: {  	[tilespmem:s26+$0xE270] =	vst v7;
	v0 =	vadd.f32 v58, v0  }
0x63: {  	[tilespmem:s26+$0xE200] =	vst v2;
	v60 =	vadd.f32 v55, v3  }
0x64: {  	[tilespmem:s26+$0xE210] =	vst v0;
	v61 =	vadd.f32 v56, v9  }
0x65: {  	v62 =	vadd.f32 v57, v6;
	[tilespmem:s26+$0xE260] =	vst v60  }
0x66: {  	v63 =	vadd.f32 v59, v8;
	[tilespmem:s26+$0xE250] =	vst v61  }
0x67: {  	s0 =	smul.u32 $0x1F400, s23;
	[tilespmem:s26+$0xE230] =	vst v62  }
0x68: {  	[tilespmem:s26+$0xE240] =	vst v63  }
0x69: {  	s2 =	sor.u32 s24, s0;
	_ =	swait.ge [sflag:s17], $0xC80  }
0x6a: {  	s22 =	sadd.s32 $0x1, s22;
	s2 =	sshrl.u32 s2, $0x3;
	[sflag:s17] =	ssyncset.done $0x0  }
0x6b: {  	p0 =	sne.s32 s22, $0x40;
	s2 =	sadd.s32 s7, s2;
	[sflag:s17] =	ssyncadd.s32 $0xFFFFF380  }
0x6c: {  	[hbm4b:s2+s13] =	stream.strided.scatter [tilespmem:s15], [sflag:$0x3], $0x3E80, s14, s13, $0x38;
	[tilespmem:$0x11400] =	vst v63  }
.Ltmp1:
0x6d: {  	_ = 	snop;
	(pc) =	sbr.rel @p0 .LBB2_2-.Ltmp1, $4  }
0x6e: {  	s0 =	sor.u32 s25, s0;
	_ =	swait.ge [sflag:s18], $0xC80  }
0x6f: {  	s0 =	sshrl.u32 s0, $0x3;
	[sflag:s18] =	ssyncset.done $0x0  }
0x70: {  	s0 =	sadd.s32 s7, s0;
	[sflag:s18] =	ssyncadd.s32 $0xFFFFF380  }
0x71: {  	[hbm4b:s0+s13] =	stream.strided.scatter [tilespmem:s16], [sflag:$0x4], $0x3E80, s14, s13, $0x38;
	[tilespmem:$0x11400] =	vst v63  }
0x72: {  	s21 =	sadd.s32 $0x1, s21  }
0x73: {  	_ =	swait.ge [sflag:s19], $0x3E80;
	p0 =	sne.s32 s21, s9  }
.Ltmp2:
0x74: {  	[sflag:s19] =	ssyncset.done $0x0;
	(pc) =	sbr.rel @p0 .LBB2_1-.Ltmp2, $4  }
0x75: {  	[sflag:s19] =	ssyncadd.s32 $0xFFFFC180  }
0x76: {  	_ =	swait.ge [sflag:s20], $0x3E80  }
0x77: {  	[sflag:s20] =	ssyncset.done $0x0  }
0x78: {  	[sflag:s20] =	ssyncadd.s32 $0xFFFFC180  }
0x79: {  	_ =	sfence.sel $0x180000  }
0x7a: {  	[bflag:$0x0] =	sbarrier.arrive $0xFFFF  }
0x7b: {  	_ =	strace $0x90000047  }
0x7c: {  	s0 =	stileid.u32;
	[bflag:$0x2] =	sbarrier.arrive $0xFFFF  }
0x7d: {  	p0 =	sne.s32 s0, $0x0;
	s0 =	rddreg [dreg:$0x3]  }
0x7e: {  	s0 =	sadd.s32 @!p0 $0x100000, s0  }
0x7f: {  	[sflag:s0] =	ssyncadd.tile.s32 @!p0 $0x1;
	_ =	shalt  }
.Lfunc_end2:
_tile_overlayer_lowered:
.L_overlay_start_2:
0x80: {  	(tag) =	ssettag $0x2  }
0x81: {  	s0 =	rddreg [dreg:$0x0];
	s2 =	stileid.u32  }
0x82: {  	s1 =	rddreg [dreg:$0x1];
	p0 =	sne.s32 s2, $0x0  }
0x83: {  	s3 =	rddreg [dreg:$0x2];
	[bflag:$0x3] =	sbarrier.arrive $0xFFFF;
	s2 =	simm.s32 @!p0 $0x1C05  }
0x84: {  	[timem:s3], [sflag:s2] =	dma.local @!p0 [hbm:s0], s1  }
0x85: {  	s0 =	simm.s32 @!p0 $0x5  }
0x86: {  	_ =	swait.ge @!p0 [sflag:s0], s1  }
0x87: {  	s1 =	ssub.s32 @!p0 $0x0, s1;
	[sflag:s0] =	ssyncset.done @!p0 $0x0  }
0x88: {  	[sflag:s0] =	ssyncadd.s32 @!p0 s1  }
0x89: {  	[bflag:$0x3] =	sbarrier.arrive $0xFFFF  }
0x8a: {  	_ =	shalt  }

</sc_bundles>
